<compile_context>
chip_gen: v7x
topology: tpu7x:2x2x1
jax: 0.10.2.dev20260603
libtpu: 0.0.44.dev20260713+nightly
codegen_flags: <defaults>
</compile_context>

<pallas_src>
import functools

import jax
import jax.numpy as jnp
from jax import lax
from jax.experimental import pallas as pl
from jax.experimental.pallas import tpu as pltpu
from jax.experimental.pallas import tpu_sc as plsc

_LANES = 16
_UNROLL = 8


def _lane_total(v):
    lanes = lax.iota(jnp.int32, _LANES)
    dnums = lax.GatherDimensionNumbers(
        offset_dims=(), collapsed_slice_dims=(0,), start_index_map=(0,)
    )
    for sh in (8, 4, 2, 1):
        idx = lax.rem(lanes + sh, jnp.full((_LANES,), _LANES, jnp.int32))
        rot = lax.gather(
            v,
            idx[:, None],
            dnums,
            slice_sizes=(1,),
            mode=lax.GatherScatterMode.PROMISE_IN_BOUNDS,
        )
        v = v + rot
    return v[0]


def kernel(hidden_states, attention_mask):
    B, S, H = hidden_states.shape
    mesh = plsc.VectorSubcoreMesh(
        core_axis_name="c", subcore_axis_name="s", num_cores=1
    )

    @functools.partial(
        pl.kernel,
        mesh=mesh,
        out_type=jax.ShapeDtypeStruct((B, H), hidden_states.dtype),
        scratch_types=[
            pltpu.VMEM((S,), jnp.int32),
            pltpu.VMEM((H,), jnp.float32),
            pltpu.SemaphoreType.DMA,
            pltpu.SemaphoreType.DMA,
            pltpu.SemaphoreType.DMA,
            pltpu.SemaphoreType.DMA,
        ],
    )
    def _sc(hs_hbm, mask_hbm, out_hbm, mask_v, row_v, g0, g1, p0, p1):
        sid = lax.axis_index("s")

        @pl.when(sid < B)
        def _():
            b = sid
            pltpu.sync_copy(mask_hbm.at[b], mask_v)

            zero = jnp.zeros((_LANES,), jnp.int32)

            @plsc.parallel_loop(
                0, S // (_LANES * _UNROLL), carry=(zero,) * _UNROLL, unroll=2
            )
            def accs(i, accs):
                base = i * (_LANES * _UNROLL)
                return tuple(
                    accs[j] + mask_v[pl.ds(base + j * _LANES, _LANES)]
                    for j in range(_UNROLL)
                )
            acc = accs[0]
            for j in range(1, _UNROLL):
                acc = acc + accs[j]
            idx = _lane_total(acc) - 1
            Hh = H // 2
            c0 = pltpu.async_copy(
                hs_hbm.at[b, idx, pl.ds(0, Hh)], row_v.at[pl.ds(0, Hh)], g0
            )
            c1 = pltpu.async_copy(
                hs_hbm.at[b, idx, pl.ds(Hh, Hh)], row_v.at[pl.ds(Hh, Hh)], g1
            )
            c0.wait()
            d0 = pltpu.async_copy(
                row_v.at[pl.ds(0, Hh)], out_hbm.at[b, pl.ds(0, Hh)], p0
            )
            c1.wait()
            d1 = pltpu.async_copy(
                row_v.at[pl.ds(Hh, Hh)], out_hbm.at[b, pl.ds(Hh, Hh)], p1
            )
            d0.wait()
            d1.wait()

    return _sc(hidden_states, attention_mask)

# --- scband reference (transcript-rebuilt; emitter-appended) ---
"""Pipeline reference for scband-clspooler-89429809037980 (READ-ONLY COPY).

The authoritative reference and input builder live on the scoring server;
editing this copy changes nothing except your own understanding.
"""

import jax, jax.numpy as jnp
import numpy as np


def setup_inputs(seed: int = 0) -> dict:
    key = jax.random.key(seed)
    k1, k2 = jax.random.split(key)
    hidden_states = jax.random.normal(k1, (4, 8192, 2048), dtype=jnp.float32)
    attention_mask = jnp.ones((4, 8192), dtype=jnp.int32)
    return {"hidden_states": hidden_states, "attention_mask": attention_mask}


def reference(hidden_states, attention_mask):
    # lengths = attention_mask.sum(dim=1).long()
    lengths = jnp.sum(attention_mask, axis=1).astype(jnp.int32)
    last_token_indices = lengths - 1
    batch_indices = jnp.arange(hidden_states.shape[0])
    # advanced indexing gather: hidden_states[batch_indices, last_token_indices]
    cls_representation = hidden_states[batch_indices, last_token_indices]
    return cls_representation

if __name__ == "__main__":
    import jax
    _d = setup_inputs()
    print(jax.jit(kernel)(*tuple(_d.values())))

</pallas_src>

<mosaic_0001>
#map = affine_map<(d0, d1) -> (0, 0, 0)>
#map1 = affine_map<(d0, d1) -> (0, 0)>
module attributes {stable_mosaic.version = 14 : i64} {
  func.func @_sc(%arg0: i32, %arg1: i32, %arg2: memref<4x8192x2048xf32, #tpu.memory_space<hbm>>, %arg3: memref<4x8192xi32, #tpu.memory_space<hbm>>, %arg4: memref<4x2048xf32, #tpu.memory_space<hbm>>, %arg5: memref<8192xi32, #tpu.memory_space<vmem>>, %arg6: memref<2048xf32, #tpu.memory_space<vmem>>, %arg7: memref<!tpu.dma_semaphore, #tpu.memory_space<semaphore_mem>>, %arg8: memref<!tpu.dma_semaphore, #tpu.memory_space<semaphore_mem>>, %arg9: memref<!tpu.dma_semaphore, #tpu.memory_space<semaphore_mem>>, %arg10: memref<!tpu.dma_semaphore, #tpu.memory_space<semaphore_mem>>) attributes {dimension_semantics = [#tpu.dimension_semantics<core_parallel>, #tpu.dimension_semantics<subcore_parallel>], iteration_bounds = array<i64: 1, 16>, scalar_prefetch = 0 : i64, scratch_operands = 6 : i64, tpu.core_type = #tpu.core_type<sc_vector_subcore>, window_params = [{transform_indices = #map}, {transform_indices = #map1}, {transform_indices = #map1}]} {
    %lt3A = arith.constant 4 : i32
    %lt3A_0 = arith.cmpi slt, %arg1, %lt3A : i32
    %convert_element_type3A = arith.extui %lt3A_0 : i1 to i32
    %cond3A = arith.constant 0 : i32
    %cond3A_1 = arith.cmpi ne, %convert_element_type3A, %cond3A : i32
    scf.if %cond3A_1 {
      "tpu.region"() ({
        %run_scoped3A = tpu.sem_alloc : memref<!tpu.dma_semaphore, #tpu.memory_space<semaphore_mem>>
        %dma_start3A_129 = arith.constant 0 : i32
        %dma_start3A_130 = tpu.memref_slice %arg3[%arg1, %dma_start3A_129] : memref<4x8192xi32, #tpu.memory_space<hbm>> -> memref<1x8192xi32, #tpu.memory_space<hbm>>
        %dma_start3A_131 = tpu.memref_squeeze %dma_start3A_130 : memref<1x8192xi32, #tpu.memory_space<hbm>> -> memref<8192xi32, #tpu.memory_space<hbm>>
        %dma_start3A_132 = arith.constant 0 : i32
        %dma_start3A_133 = tpu.memref_slice %arg3[%arg1, %dma_start3A_132] : memref<4x8192xi32, #tpu.memory_space<hbm>> -> memref<1x8192xi32, #tpu.memory_space<hbm>>
        %dma_start3A_134 = tpu.memref_squeeze %dma_start3A_133 : memref<1x8192xi32, #tpu.memory_space<hbm>> -> memref<8192xi32, #tpu.memory_space<hbm>>
        tpu.enqueue_dma source(%dma_start3A_134 : memref<8192xi32, #tpu.memory_space<hbm>>) target(%arg5 : memref<8192xi32, #tpu.memory_space<vmem>>) target_semaphore(%run_scoped3A : memref<!tpu.dma_semaphore, #tpu.memory_space<semaphore_mem>>)
        %dma_wait3A_135 = arith.constant 0 : i32
        %dma_wait3A_136 = tpu.memref_slice %arg3[%arg1, %dma_wait3A_135] : memref<4x8192xi32, #tpu.memory_space<hbm>> -> memref<1x8192xi32, #tpu.memory_space<hbm>>
        %dma_wait3A_137 = tpu.memref_squeeze %dma_wait3A_136 : memref<1x8192xi32, #tpu.memory_space<hbm>> -> memref<8192xi32, #tpu.memory_space<hbm>>
        %dma_wait3A_138 = arith.constant 0 : i32
        %dma_wait3A_139 = tpu.memref_slice %arg3[%arg1, %dma_wait3A_138] : memref<4x8192xi32, #tpu.memory_space<hbm>> -> memref<1x8192xi32, #tpu.memory_space<hbm>>
        %dma_wait3A_140 = tpu.memref_squeeze %dma_wait3A_139 : memref<1x8192xi32, #tpu.memory_space<hbm>> -> memref<8192xi32, #tpu.memory_space<hbm>>
        tpu.wait_dma2 semaphore(%run_scoped3A : memref<!tpu.dma_semaphore, #tpu.memory_space<semaphore_mem>>) src(%dma_wait3A_140 : memref<8192xi32, #tpu.memory_space<hbm>>) dst(%arg5 : memref<8192xi32, #tpu.memory_space<vmem>>)
        tpu.yield
      }) : () -> ()
      %broadcast_in_dim3A = arith.constant 0 : i32
      %broadcast_in_dim3A_2 = vector.broadcast %broadcast_in_dim3A : i32 to vector<16xi32>
      %parallel_loop3A = arith.constant 0 : i32
      %parallel_loop3A_3 = arith.constant 64 : i32
      %parallel_loop3A_4 = arith.constant 1 : i32
      %parallel_loop3A_5:8 = scf.for %parallel_loop3A_129 = %parallel_loop3A to %parallel_loop3A_3 step %parallel_loop3A_4 iter_args(%parallel_loop3A_130 = %broadcast_in_dim3A_2, %parallel_loop3A_131 = %broadcast_in_dim3A_2, %parallel_loop3A_132 = %broadcast_in_dim3A_2, %parallel_loop3A_133 = %broadcast_in_dim3A_2, %parallel_loop3A_134 = %broadcast_in_dim3A_2, %parallel_loop3A_135 = %broadcast_in_dim3A_2, %parallel_loop3A_136 = %broadcast_in_dim3A_2, %parallel_loop3A_137 = %broadcast_in_dim3A_2) -> (vector<16xi32>, vector<16xi32>, vector<16xi32>, vector<16xi32>, vector<16xi32>, vector<16xi32>, vector<16xi32>, vector<16xi32>)  : i32 {
        %parallel_loop3A_138 = arith.constant 128 : i32
        %parallel_loop3A_139 = arith.muli %parallel_loop3A_129, %parallel_loop3A_138 : i32
        %parallel_loop3A_140 = arith.constant 0 : i32
        %parallel_loop3A_141 = arith.addi %parallel_loop3A_139, %parallel_loop3A_140 : i32
        %parallel_loop3A_142 = arith.index_cast %parallel_loop3A_141 : i32 to index
        %parallel_loop3A_143 = tpu.vector_load %arg5[%parallel_loop3A_142] {strides = array<i32>} : memref<8192xi32, #tpu.memory_space<vmem>>, vector<16xi32>,
        %parallel_loop3A_144 = vector.shape_cast %parallel_loop3A_143 : vector<16xi32> to vector<16xi32>
        %parallel_loop3A_145 = arith.addi %parallel_loop3A_130, %parallel_loop3A_144 : vector<16xi32>
        %parallel_loop3A_146 = arith.constant 16 : i32
        %parallel_loop3A_147 = arith.addi %parallel_loop3A_139, %parallel_loop3A_146 : i32
        %parallel_loop3A_148 = arith.index_cast %parallel_loop3A_147 : i32 to index
        %parallel_loop3A_149 = tpu.vector_load %arg5[%parallel_loop3A_148] {strides = array<i32>} : memref<8192xi32, #tpu.memory_space<vmem>>, vector<16xi32>,
        %parallel_loop3A_150 = vector.shape_cast %parallel_loop3A_149 : vector<16xi32> to vector<16xi32>
        %parallel_loop3A_151 = arith.addi %parallel_loop3A_131, %parallel_loop3A_150 : vector<16xi32>
        %parallel_loop3A_152 = arith.constant 32 : i32
        %parallel_loop3A_153 = arith.addi %parallel_loop3A_139, %parallel_loop3A_152 : i32
        %parallel_loop3A_154 = arith.index_cast %parallel_loop3A_153 : i32 to index
        %parallel_loop3A_155 = tpu.vector_load %arg5[%parallel_loop3A_154] {strides = array<i32>} : memref<8192xi32, #tpu.memory_space<vmem>>, vector<16xi32>,
        %parallel_loop3A_156 = vector.shape_cast %parallel_loop3A_155 : vector<16xi32> to vector<16xi32>
        %parallel_loop3A_157 = arith.addi %parallel_loop3A_132, %parallel_loop3A_156 : vector<16xi32>
        %parallel_loop3A_158 = arith.constant 48 : i32
        %parallel_loop3A_159 = arith.addi %parallel_loop3A_139, %parallel_loop3A_158 : i32
        %parallel_loop3A_160 = arith.index_cast %parallel_loop3A_159 : i32 to index
        %parallel_loop3A_161 = tpu.vector_load %arg5[%parallel_loop3A_160] {strides = array<i32>} : memref<8192xi32, #tpu.memory_space<vmem>>, vector<16xi32>,
        %parallel_loop3A_162 = vector.shape_cast %parallel_loop3A_161 : vector<16xi32> to vector<16xi32>
        %parallel_loop3A_163 = arith.addi %parallel_loop3A_133, %parallel_loop3A_162 : vector<16xi32>
        %parallel_loop3A_164 = arith.constant 64 : i32
        %parallel_loop3A_165 = arith.addi %parallel_loop3A_139, %parallel_loop3A_164 : i32
        %parallel_loop3A_166 = arith.index_cast %parallel_loop3A_165 : i32 to index
        %parallel_loop3A_167 = tpu.vector_load %arg5[%parallel_loop3A_166] {strides = array<i32>} : memref<8192xi32, #tpu.memory_space<vmem>>, vector<16xi32>,
        %parallel_loop3A_168 = vector.shape_cast %parallel_loop3A_167 : vector<16xi32> to vector<16xi32>
        %parallel_loop3A_169 = arith.addi %parallel_loop3A_134, %parallel_loop3A_168 : vector<16xi32>
        %parallel_loop3A_170 = arith.constant 80 : i32
        %parallel_loop3A_171 = arith.addi %parallel_loop3A_139, %parallel_loop3A_170 : i32
        %parallel_loop3A_172 = arith.index_cast %parallel_loop3A_171 : i32 to index
        %parallel_loop3A_173 = tpu.vector_load %arg5[%parallel_loop3A_172] {strides = array<i32>} : memref<8192xi32, #tpu.memory_space<vmem>>, vector<16xi32>,
        %parallel_loop3A_174 = vector.shape_cast %parallel_loop3A_173 : vector<16xi32> to vector<16xi32>
        %parallel_loop3A_175 = arith.addi %parallel_loop3A_135, %parallel_loop3A_174 : vector<16xi32>
        %parallel_loop3A_176 = arith.constant 96 : i32
        %parallel_loop3A_177 = arith.addi %parallel_loop3A_139, %parallel_loop3A_176 : i32
        %parallel_loop3A_178 = arith.index_cast %parallel_loop3A_177 : i32 to index
        %parallel_loop3A_179 = tpu.vector_load %arg5[%parallel_loop3A_178] {strides = array<i32>} : memref<8192xi32, #tpu.memory_space<vmem>>, vector<16xi32>,
        %parallel_loop3A_180 = vector.shape_cast %parallel_loop3A_179 : vector<16xi32> to vector<16xi32>
        %parallel_loop3A_181 = arith.addi %parallel_loop3A_136, %parallel_loop3A_180 : vector<16xi32>
        %parallel_loop3A_182 = arith.constant 112 : i32
        %parallel_loop3A_183 = arith.addi %parallel_loop3A_139, %parallel_loop3A_182 : i32
        %parallel_loop3A_184 = arith.index_cast %parallel_loop3A_183 : i32 to index
        %parallel_loop3A_185 = tpu.vector_load %arg5[%parallel_loop3A_184] {strides = array<i32>} : memref<8192xi32, #tpu.memory_space<vmem>>, vector<16xi32>,
        %parallel_loop3A_186 = vector.shape_cast %parallel_loop3A_185 : vector<16xi32> to vector<16xi32>
        %parallel_loop3A_187 = arith.addi %parallel_loop3A_137, %parallel_loop3A_186 : vector<16xi32>
        scf.yield %parallel_loop3A_145, %parallel_loop3A_151, %parallel_loop3A_157, %parallel_loop3A_163, %parallel_loop3A_169, %parallel_loop3A_175, %parallel_loop3A_181, %parallel_loop3A_187 : vector<16xi32>, vector<16xi32>, vector<16xi32>, vector<16xi32>, vector<16xi32>, vector<16xi32>, vector<16xi32>, vector<16xi32>
      } {sc.loop_unroll_factor = 2 : i64, sc.parallel_access}
      %add3A = arith.addi %parallel_loop3A_5#0, %parallel_loop3A_5#1 : vector<16xi32>
      %add3A_6 = arith.addi %add3A, %parallel_loop3A_5#2 : vector<16xi32>
      %add3A_7 = arith.addi %add3A_6, %parallel_loop3A_5#3 : vector<16xi32>
      %add3A_8 = arith.addi %add3A_7, %parallel_loop3A_5#4 : vector<16xi32>
      %add3A_9 = arith.addi %add3A_8, %parallel_loop3A_5#5 : vector<16xi32>
      %add3A_10 = arith.addi %add3A_9, %parallel_loop3A_5#6 : vector<16xi32>
      %add3A_11 = arith.addi %add3A_10, %parallel_loop3A_5#7 : vector<16xi32>
      %iota3A = tpu.iota {dimensions = array<i32: 0>} : vector<16xi32>
      %add3A_12 = arith.constant 8 : i32
      %add3A_13 = vector.broadcast %add3A_12 : i32 to vector<16xi32>
      %add3A_14 = arith.addi %iota3A, %add3A_13 : vector<16xi32>
      %broadcast_in_dim3A_15 = arith.constant 16 : i32
      %broadcast_in_dim3A_16 = vector.broadcast %broadcast_in_dim3A_15 : i32 to vector<16xi32>
      %rem3A = arith.remsi %add3A_14, %broadcast_in_dim3A_16 : vector<16xi32>
      %broadcast_in_dim3A_17 = vector.shape_cast %rem3A : vector<16xi32> to vector<16x1xi32>
      %gather3A = vector.shape_cast %broadcast_in_dim3A_17 : vector<16x1xi32> to vector<16xi32>
      %gather3A_18 = tpu.dynamic_gather %add3A_11[%gather3A] in [0] : vector<16xi32>, vector<16xi32> -> vector<16xi32>
      %add3A_19 = arith.addi %add3A_11, %gather3A_18 : vector<16xi32>
      %add3A_20 = arith.constant 4 : i32
      %add3A_21 = vector.broadcast %add3A_20 : i32 to vector<16xi32>
      %add3A_22 = arith.addi %iota3A, %add3A_21 : vector<16xi32>
      %broadcast_in_dim3A_23 = arith.constant 16 : i32
      %broadcast_in_dim3A_24 = vector.broadcast %broadcast_in_dim3A_23 : i32 to vector<16xi32>
      %rem3A_25 = arith.remsi %add3A_22, %broadcast_in_dim3A_24 : vector<16xi32>
      %broadcast_in_dim3A_26 = vector.shape_cast %rem3A_25 : vector<16xi32> to vector<16x1xi32>
      %gather3A_27 = vector.shape_cast %broadcast_in_dim3A_26 : vector<16x1xi32> to vector<16xi32>
      %gather3A_28 = tpu.dynamic_gather %add3A_19[%gather3A_27] in [0] : vector<16xi32>, vector<16xi32> -> vector<16xi32>
      %add3A_29 = arith.addi %add3A_19, %gather3A_28 : vector<16xi32>
      %add3A_30 = arith.constant 2 : i32
      %add3A_31 = vector.broadcast %add3A_30 : i32 to vector<16xi32>
      %add3A_32 = arith.addi %iota3A, %add3A_31 : vector<16xi32>
      %broadcast_in_dim3A_33 = arith.constant 16 : i32
      %broadcast_in_dim3A_34 = vector.broadcast %broadcast_in_dim3A_33 : i32 to vector<16xi32>
      %rem3A_35 = arith.remsi %add3A_32, %broadcast_in_dim3A_34 : vector<16xi32>
      %broadcast_in_dim3A_36 = vector.shape_cast %rem3A_35 : vector<16xi32> to vector<16x1xi32>
      %gather3A_37 = vector.shape_cast %broadcast_in_dim3A_36 : vector<16x1xi32> to vector<16xi32>
      %gather3A_38 = tpu.dynamic_gather %add3A_29[%gather3A_37] in [0] : vector<16xi32>, vector<16xi32> -> vector<16xi32>
      %add3A_39 = arith.addi %add3A_29, %gather3A_38 : vector<16xi32>
      %add3A_40 = arith.constant 1 : i32
      %add3A_41 = vector.broadcast %add3A_40 : i32 to vector<16xi32>
      %add3A_42 = arith.addi %iota3A, %add3A_41 : vector<16xi32>
      %broadcast_in_dim3A_43 = arith.constant 16 : i32
      %broadcast_in_dim3A_44 = vector.broadcast %broadcast_in_dim3A_43 : i32 to vector<16xi32>
      %rem3A_45 = arith.remsi %add3A_42, %broadcast_in_dim3A_44 : vector<16xi32>
      %broadcast_in_dim3A_46 = vector.shape_cast %rem3A_45 : vector<16xi32> to vector<16x1xi32>
      %gather3A_47 = vector.shape_cast %broadcast_in_dim3A_46 : vector<16x1xi32> to vector<16xi32>
      %gather3A_48 = tpu.dynamic_gather %add3A_39[%gather3A_47] in [0] : vector<16xi32>, vector<16xi32> -> vector<16xi32>
      %add3A_49 = arith.addi %add3A_39, %gather3A_48 : vector<16xi32>
      %slice3A = vector.extract_strided_slice %add3A_49 {offsets = [0], sizes = [1], strides = [1]} : vector<16xi32> to vector<1xi32>
      %squeeze3A = vector.extract %slice3A[0] : i32 from vector<1xi32>
      %sub3A = arith.constant 1 : i32
      %sub3A_50 = arith.subi %squeeze3A, %sub3A : i32
      %dma_start3A = arith.constant 0 : i32
      %dma_start3A_51 = tpu.memref_slice %arg6[%dma_start3A] : memref<2048xf32, #tpu.memory_space<vmem>> -> memref<1024xf32, #tpu.memory_space<vmem>>
      %dma_start3A_52 = arith.constant 0 : i32
      %dma_start3A_53 = tpu.memref_slice %arg2[%arg1, %sub3A_50, %dma_start3A_52] : memref<4x8192x2048xf32, #tpu.memory_space<hbm>> -> memref<1x1x1024xf32, #tpu.memory_space<hbm>>
      %dma_start3A_54 = tpu.memref_squeeze %dma_start3A_53 : memref<1x1x1024xf32, #tpu.memory_space<hbm>> -> memref<1024xf32, #tpu.memory_space<hbm>>
      %dma_start3A_55 = arith.constant 0 : i32
      %dma_start3A_56 = tpu.memref_slice %arg6[%dma_start3A_55] : memref<2048xf32, #tpu.memory_space<vmem>> -> memref<1024xf32, #tpu.memory_space<vmem>>
      %dma_start3A_57 = arith.constant 0 : i32
      %dma_start3A_58 = tpu.memref_slice %arg2[%arg1, %sub3A_50, %dma_start3A_57] : memref<4x8192x2048xf32, #tpu.memory_space<hbm>> -> memref<1x1x1024xf32, #tpu.memory_space<hbm>>
      %dma_start3A_59 = tpu.memref_squeeze %dma_start3A_58 : memref<1x1x1024xf32, #tpu.memory_space<hbm>> -> memref<1024xf32, #tpu.memory_space<hbm>>
      tpu.enqueue_dma source(%dma_start3A_59 : memref<1024xf32, #tpu.memory_space<hbm>>) target(%dma_start3A_56 : memref<1024xf32, #tpu.memory_space<vmem>>) target_semaphore(%arg7 : memref<!tpu.dma_semaphore, #tpu.memory_space<semaphore_mem>>)
      %dma_start3A_60 = arith.constant 1024 : i32
      %dma_start3A_61 = tpu.memref_slice %arg6[%dma_start3A_60] : memref<2048xf32, #tpu.memory_space<vmem>> -> memref<1024xf32, #tpu.memory_space<vmem>>
      %dma_start3A_62 = arith.constant 1024 : i32
      %dma_start3A_63 = tpu.memref_slice %arg2[%arg1, %sub3A_50, %dma_start3A_62] : memref<4x8192x2048xf32, #tpu.memory_space<hbm>> -> memref<1x1x1024xf32, #tpu.memory_space<hbm>>
      %dma_start3A_64 = tpu.memref_squeeze %dma_start3A_63 : memref<1x1x1024xf32, #tpu.memory_space<hbm>> -> memref<1024xf32, #tpu.memory_space<hbm>>
      %dma_start3A_65 = arith.constant 1024 : i32
      %dma_start3A_66 = tpu.memref_slice %arg6[%dma_start3A_65] : memref<2048xf32, #tpu.memory_space<vmem>> -> memref<1024xf32, #tpu.memory_space<vmem>>
      %dma_start3A_67 = arith.constant 1024 : i32
      %dma_start3A_68 = tpu.memref_slice %arg2[%arg1, %sub3A_50, %dma_start3A_67] : memref<4x8192x2048xf32, #tpu.memory_space<hbm>> -> memref<1x1x1024xf32, #tpu.memory_space<hbm>>
      %dma_start3A_69 = tpu.memref_squeeze %dma_start3A_68 : memref<1x1x1024xf32, #tpu.memory_space<hbm>> -> memref<1024xf32, #tpu.memory_space<hbm>>
      tpu.enqueue_dma source(%dma_start3A_69 : memref<1024xf32, #tpu.memory_space<hbm>>) target(%dma_start3A_66 : memref<1024xf32, #tpu.memory_space<vmem>>) target_semaphore(%arg8 : memref<!tpu.dma_semaphore, #tpu.memory_space<semaphore_mem>>)
      %dma_wait3A = arith.constant 0 : i32
      %dma_wait3A_70 = tpu.memref_slice %arg6[%dma_wait3A] : memref<2048xf32, #tpu.memory_space<vmem>> -> memref<1024xf32, #tpu.memory_space<vmem>>
      %dma_wait3A_71 = arith.constant 0 : i32
      %dma_wait3A_72 = tpu.memref_slice %arg2[%arg1, %sub3A_50, %dma_wait3A_71] : memref<4x8192x2048xf32, #tpu.memory_space<hbm>> -> memref<1x1x1024xf32, #tpu.memory_space<hbm>>
      %dma_wait3A_73 = tpu.memref_squeeze %dma_wait3A_72 : memref<1x1x1024xf32, #tpu.memory_space<hbm>> -> memref<1024xf32, #tpu.memory_space<hbm>>
      %dma_wait3A_74 = arith.constant 0 : i32
      %dma_wait3A_75 = tpu.memref_slice %arg6[%dma_wait3A_74] : memref<2048xf32, #tpu.memory_space<vmem>> -> memref<1024xf32, #tpu.memory_space<vmem>>
      %dma_wait3A_76 = arith.constant 0 : i32
      %dma_wait3A_77 = tpu.memref_slice %arg2[%arg1, %sub3A_50, %dma_wait3A_76] : memref<4x8192x2048xf32, #tpu.memory_space<hbm>> -> memref<1x1x1024xf32, #tpu.memory_space<hbm>>
      %dma_wait3A_78 = tpu.memref_squeeze %dma_wait3A_77 : memref<1x1x1024xf32, #tpu.memory_space<hbm>> -> memref<1024xf32, #tpu.memory_space<hbm>>
      tpu.wait_dma2 semaphore(%arg7 : memref<!tpu.dma_semaphore, #tpu.memory_space<semaphore_mem>>) src(%dma_wait3A_78 : memref<1024xf32, #tpu.memory_space<hbm>>) dst(%dma_wait3A_75 : memref<1024xf32, #tpu.memory_space<vmem>>)
      %dma_start3A_79 = arith.constant 0 : i32
      %dma_start3A_80 = tpu.memref_slice %arg6[%dma_start3A_79] : memref<2048xf32, #tpu.memory_space<vmem>> -> memref<1024xf32, #tpu.memory_space<vmem>>
      %dma_start3A_81 = arith.constant 0 : i32
      %dma_start3A_82 = tpu.memref_slice %arg4[%arg1, %dma_start3A_81] : memref<4x2048xf32, #tpu.memory_space<hbm>> -> memref<1x1024xf32, #tpu.memory_space<hbm>>
      %dma_start3A_83 = tpu.memref_squeeze %dma_start3A_82 : memref<1x1024xf32, #tpu.memory_space<hbm>> -> memref<1024xf32, #tpu.memory_space<hbm>>
      %dma_start3A_84 = arith.constant 0 : i32
      %dma_start3A_85 = tpu.memref_slice %arg4[%arg1, %dma_start3A_84] : memref<4x2048xf32, #tpu.memory_space<hbm>> -> memref<1x1024xf32, #tpu.memory_space<hbm>>
      %dma_start3A_86 = tpu.memref_squeeze %dma_start3A_85 : memref<1x1024xf32, #tpu.memory_space<hbm>> -> memref<1024xf32, #tpu.memory_space<hbm>>
      %dma_start3A_87 = arith.constant 0 : i32
      %dma_start3A_88 = tpu.memref_slice %arg6[%dma_start3A_87] : memref<2048xf32, #tpu.memory_space<vmem>> -> memref<1024xf32, #tpu.memory_space<vmem>>
      tpu.enqueue_dma source(%dma_start3A_88 : memref<1024xf32, #tpu.memory_space<vmem>>) target(%dma_start3A_86 : memref<1024xf32, #tpu.memory_space<hbm>>) target_semaphore(%arg9 : memref<!tpu.dma_semaphore, #tpu.memory_space<semaphore_mem>>)
      %dma_wait3A_89 = arith.constant 1024 : i32
      %dma_wait3A_90 = tpu.memref_slice %arg6[%dma_wait3A_89] : memref<2048xf32, #tpu.memory_space<vmem>> -> memref<1024xf32, #tpu.memory_space<vmem>>
      %dma_wait3A_91 = arith.constant 1024 : i32
      %dma_wait3A_92 = tpu.memref_slice %arg2[%arg1, %sub3A_50, %dma_wait3A_91] : memref<4x8192x2048xf32, #tpu.memory_space<hbm>> -> memref<1x1x1024xf32, #tpu.memory_space<hbm>>
      %dma_wait3A_93 = tpu.memref_squeeze %dma_wait3A_92 : memref<1x1x1024xf32, #tpu.memory_space<hbm>> -> memref<1024xf32, #tpu.memory_space<hbm>>
      %dma_wait3A_94 = arith.constant 1024 : i32
      %dma_wait3A_95 = tpu.memref_slice %arg6[%dma_wait3A_94] : memref<2048xf32, #tpu.memory_space<vmem>> -> memref<1024xf32, #tpu.memory_space<vmem>>
      %dma_wait3A_96 = arith.constant 1024 : i32
      %dma_wait3A_97 = tpu.memref_slice %arg2[%arg1, %sub3A_50, %dma_wait3A_96] : memref<4x8192x2048xf32, #tpu.memory_space<hbm>> -> memref<1x1x1024xf32, #tpu.memory_space<hbm>>
      %dma_wait3A_98 = tpu.memref_squeeze %dma_wait3A_97 : memref<1x1x1024xf32, #tpu.memory_space<hbm>> -> memref<1024xf32, #tpu.memory_space<hbm>>
      tpu.wait_dma2 semaphore(%arg8 : memref<!tpu.dma_semaphore, #tpu.memory_space<semaphore_mem>>) src(%dma_wait3A_98 : memref<1024xf32, #tpu.memory_space<hbm>>) dst(%dma_wait3A_95 : memref<1024xf32, #tpu.memory_space<vmem>>)
      %dma_start3A_99 = arith.constant 1024 : i32
      %dma_start3A_100 = tpu.memref_slice %arg6[%dma_start3A_99] : memref<2048xf32, #tpu.memory_space<vmem>> -> memref<1024xf32, #tpu.memory_space<vmem>>
      %dma_start3A_101 = arith.constant 1024 : i32
      %dma_start3A_102 = tpu.memref_slice %arg4[%arg1, %dma_start3A_101] : memref<4x2048xf32, #tpu.memory_space<hbm>> -> memref<1x1024xf32, #tpu.memory_space<hbm>>
      %dma_start3A_103 = tpu.memref_squeeze %dma_start3A_102 : memref<1x1024xf32, #tpu.memory_space<hbm>> -> memref<1024xf32, #tpu.memory_space<hbm>>
      %dma_start3A_104 = arith.constant 1024 : i32
      %dma_start3A_105 = tpu.memref_slice %arg4[%arg1, %dma_start3A_104] : memref<4x2048xf32, #tpu.memory_space<hbm>> -> memref<1x1024xf32, #tpu.memory_space<hbm>>
      %dma_start3A_106 = tpu.memref_squeeze %dma_start3A_105 : memref<1x1024xf32, #tpu.memory_space<hbm>> -> memref<1024xf32, #tpu.memory_space<hbm>>
      %dma_start3A_107 = arith.constant 1024 : i32
      %dma_start3A_108 = tpu.memref_slice %arg6[%dma_start3A_107] : memref<2048xf32, #tpu.memory_space<vmem>> -> memref<1024xf32, #tpu.memory_space<vmem>>
      tpu.enqueue_dma source(%dma_start3A_108 : memref<1024xf32, #tpu.memory_space<vmem>>) target(%dma_start3A_106 : memref<1024xf32, #tpu.memory_space<hbm>>) target_semaphore(%arg10 : memref<!tpu.dma_semaphore, #tpu.memory_space<semaphore_mem>>)
      %dma_wait3A_109 = arith.constant 0 : i32
      %dma_wait3A_110 = tpu.memref_slice %arg6[%dma_wait3A_109] : memref<2048xf32, #tpu.memory_space<vmem>> -> memref<1024xf32, #tpu.memory_space<vmem>>
      %dma_wait3A_111 = arith.constant 0 : i32
      %dma_wait3A_112 = tpu.memref_slice %arg4[%arg1, %dma_wait3A_111] : memref<4x2048xf32, #tpu.memory_space<hbm>> -> memref<1x1024xf32, #tpu.memory_space<hbm>>
      %dma_wait3A_113 = tpu.memref_squeeze %dma_wait3A_112 : memref<1x1024xf32, #tpu.memory_space<hbm>> -> memref<1024xf32, #tpu.memory_space<hbm>>
      %dma_wait3A_114 = arith.constant 0 : i32
      %dma_wait3A_115 = tpu.memref_slice %arg4[%arg1, %dma_wait3A_114] : memref<4x2048xf32, #tpu.memory_space<hbm>> -> memref<1x1024xf32, #tpu.memory_space<hbm>>
      %dma_wait3A_116 = tpu.memref_squeeze %dma_wait3A_115 : memref<1x1024xf32, #tpu.memory_space<hbm>> -> memref<1024xf32, #tpu.memory_space<hbm>>
      %dma_wait3A_117 = arith.constant 0 : i32
      %dma_wait3A_118 = tpu.memref_slice %arg6[%dma_wait3A_117] : memref<2048xf32, #tpu.memory_space<vmem>> -> memref<1024xf32, #tpu.memory_space<vmem>>
      tpu.wait_dma2 semaphore(%arg9 : memref<!tpu.dma_semaphore, #tpu.memory_space<semaphore_mem>>) src(%dma_wait3A_118 : memref<1024xf32, #tpu.memory_space<vmem>>) dst(%dma_wait3A_116 : memref<1024xf32, #tpu.memory_space<hbm>>)
      %dma_wait3A_119 = arith.constant 1024 : i32
      %dma_wait3A_120 = tpu.memref_slice %arg6[%dma_wait3A_119] : memref<2048xf32, #tpu.memory_space<vmem>> -> memref<1024xf32, #tpu.memory_space<vmem>>
      %dma_wait3A_121 = arith.constant 1024 : i32
      %dma_wait3A_122 = tpu.memref_slice %arg4[%arg1, %dma_wait3A_121] : memref<4x2048xf32, #tpu.memory_space<hbm>> -> memref<1x1024xf32, #tpu.memory_space<hbm>>
      %dma_wait3A_123 = tpu.memref_squeeze %dma_wait3A_122 : memref<1x1024xf32, #tpu.memory_space<hbm>> -> memref<1024xf32, #tpu.memory_space<hbm>>
      %dma_wait3A_124 = arith.constant 1024 : i32
      %dma_wait3A_125 = tpu.memref_slice %arg4[%arg1, %dma_wait3A_124] : memref<4x2048xf32, #tpu.memory_space<hbm>> -> memref<1x1024xf32, #tpu.memory_space<hbm>>
      %dma_wait3A_126 = tpu.memref_squeeze %dma_wait3A_125 : memref<1x1024xf32, #tpu.memory_space<hbm>> -> memref<1024xf32, #tpu.memory_space<hbm>>
      %dma_wait3A_127 = arith.constant 1024 : i32
      %dma_wait3A_128 = tpu.memref_slice %arg6[%dma_wait3A_127] : memref<2048xf32, #tpu.memory_space<vmem>> -> memref<1024xf32, #tpu.memory_space<vmem>>
      tpu.wait_dma2 semaphore(%arg10 : memref<!tpu.dma_semaphore, #tpu.memory_space<semaphore_mem>>) src(%dma_wait3A_128 : memref<1024xf32, #tpu.memory_space<vmem>>) dst(%dma_wait3A_126 : memref<1024xf32, #tpu.memory_space<hbm>>)
    } else {
    }
    return
  }
}

</mosaic_0001>

<sc_bundles>
// kernel: kernel.3.cloned.1.call-start
scs
__scs_entry_jumppad:
0x0: {  	(pc) =	sbr.rel $0x88, $3  }
0x1: {  	(tag) =	ssettag $0x0;
	lr =	simm.s32 $0x1  }
0x2: {  	[smem:$0x3F9F] =	sst lr;
	_ =	strace $0xD0000000  }
0x3: {  	_ = 	snop  }
0x4: {  	_ = 	snop  }
0x5: {  	_ = 	snop  }
0x6: {  	_ = 	snop  }
0x7: {  	_ = 	snop  }
__scs_overlays_trampoline_lowered:
0x8: {  	[smem:$0x3FAE] =	sst s0  }
0x9: {  	[smem:$0x3FAF] =	sst s1  }
0xa: {  	[smem:$0x3FB0] =	sst s2  }
0xb: {  	[smem:$0x3FB1] =	sst s3  }
0xc: {  	[smem:$0x3FB2] =	sst s4  }
0xd: {  	[smem:$0x3FB3] =	sst s5  }
0xe: {  	[smem:$0x3FB4] =	sst s6  }
0xf: {  	[smem:$0x3FB5] =	sst s7  }
0x10: {  	[smem:$0x3FB6] =	sst s8  }
0x11: {  	[smem:$0x3FB7] =	sst s9;
	s0 =	simm.s32 @!p0 $0x0  }
0x12: {  	s1 =	sld [smem:$0x3F9D];
	s0 =	simm.s32 @p0 $0x1  }
0x13: {  	[smem:$0x3FB8] =	sst s0;
	s0 =	simm.s32 @!p1 $0x0  }
0x14: {  	s2 =	sld [smem:$0x3F9C];
	s0 =	simm.s32 @p1 $0x1  }
0x15: {  	[smem:$0x3FB9] =	sst s0;
	s0 =	simm.s32 @!p2 $0x0  }
0x16: {  	s3 =	sld [smem:$0x3FDB];
	s0 =	simm.s32 @p2 $0x1  }
0x17: {  	s4 =	simm.s32 $0x1BF5;
	[smem:$0x3FBB] =	sst s0  }
0x18: {  	s0 =	sld [smem:$0x3F9E];
	_ =	swait.ge [sflag:s4], $0x0  }
0x19: {  	s7 =	sld [smem:$0x3F9F]  }
0x1a: {  	s8 =	sadd.s32 $0xFFFFE003, lr  }
0x1b: {  	s9 =	sadd.s32 $0xFFFFFEF7, lr;
	s5 =	simm.s32 $0xFFFFFFFF;
	p2 =	slt.u32 s8, $0xFFFFF086  }
0x1c: {  	p1 =	slt.u32 s9, $0xF7A;
	s5 =	simm.s32 @!p2 $0x0  }
0x1d: {  	s5 =	simm.s32 @p1 $0x1;
	p0 =	seq.s32 s7, s2  }
0x1e: {  	s7 =	smul.u32 @!p0 $0xF7A, s2;
	p2 =	seq.s32 @!p0 s5, $0x0  }
0x1f: {  	s9 =	smul.u32 $0xF7A, s1;
	s8 =	simm.s32 @!p0 $0x1BF5;
	p2 =	por !p2, p0  }
0x20: {  	[sflag:s8] =	ssyncset.s32 @!p0 $0xFFFFF086;
	s6 =	sadd.s32 @!p0 s3, s7;
	s7 =	simm.s32 @!p0 $0x108  }
0x21: {  	s3 =	sadd.s32 s3, s9;
	s6 =	sadd.s32 @!p0 $0x88, s6;
	s7 =	simm.s32 @p2 $0x1082  }
0x22: {  	[simem:s7], [sflag:s8] =	dma.local @!p0 [hbm:s6], $0xF7A  }
0x23: {  	s9 =	sor.u32 $0xD0000000, s2;
	s6 =	simm.s32 $0x108;
	_ =	swait.ge @!p0 [sflag:s8], $0x0  }
0x24: {  	s3 =	sadd.s32 $0x88, s3;
	s6 =	simm.s32 @!p1 $0x1082;
	[sflag:s4] =	ssyncset.s32 $0xFFFFF086  }
0x25: {  	[simem:s6], [sflag:s4] =	dma.local [hbm:s3], $0xF7A  }
0x26: {  	[smem:$0x3F9F] =	sst s1;
	(tag) =	ssettag s2;
	_ =	strace s9  }
0x27: {  	s1 =	sld [smem:$0x3FAF]  }
0x28: {  	s2 =	sld [smem:$0x3FB0]  }
0x29: {  	s4 =	sld [smem:$0x3FB2]  }
0x2a: {  	p0 =	seq.s32 s5, $0x0;
	s5 =	sld [smem:$0x3FB3]  }
0x2b: {  	s6 =	sld [smem:$0x3FB4]  }
0x2c: {  	s7 =	sld [smem:$0x3FB5]  }
0x2d: {  	s3 =	simm.s32 $0x108;
	s8 =	sld [smem:$0x3FB6]  }
0x2e: {  	s3 =	simm.s32 @!p0 $0x1082;
	s9 =	sld [smem:$0x3FB7]  }
0x2f: {  	lr =	sadd.s32 s0, s3;
	s0 =	sld [smem:$0x3FAE]  }
0x30: {  	s3 =	sld [smem:$0x3FB1]  }
0x31: {  	[smem:$0x3FBA] =	sst s10  }
0x32: {  	s10 =	sld [smem:$0x3FB8];
	_ =	sdelay $0x3  }
0x33: {  	p0 =	seq.s32 s10, $0x1;
	s10 =	sld [smem:$0x3FBA];
	_ =	sdelay $0x3  }
0x34: {  	[smem:$0x3FBA] =	sst s10  }
0x35: {  	s10 =	sld [smem:$0x3FB9];
	_ =	sdelay $0x3  }
0x36: {  	p1 =	seq.s32 s10, $0x1;
	s10 =	sld [smem:$0x3FBA];
	_ =	sdelay $0x3  }
0x37: {  	[smem:$0x3FBA] =	sst s10  }
0x38: {  	s10 =	sld [smem:$0x3FBB]  }
0x39: {  	_ = 	snop;
	(pc) =	sbr.ind lr, $3  }
0x3a: {  	_ = 	snop  }
0x3b: {  	_ = 	snop  }
0x3c: {  	p2 =	seq.s32 s10, $0x1;
	s10 =	sld [smem:$0x3FBA]  }
0x3d: {  	_ =	shalt  }
0x3e: {  	_ =	shalt  }
0x3f: {  	_ =	shalt  }
0x40: {  	_ =	shalt  }
0x41: {  	_ =	shalt  }
0x42: {  	_ =	shalt  }
0x43: {  	_ =	shalt  }
0x44: {  	_ =	shalt  }
0x45: {  	_ =	shalt  }
0x46: {  	_ =	shalt  }
0x47: {  	_ =	shalt  }
0x48: {  	_ =	shalt  }
0x49: {  	_ =	shalt  }
0x4a: {  	_ =	shalt  }
0x4b: {  	_ =	shalt  }
0x4c: {  	_ =	shalt  }
0x4d: {  	_ =	shalt  }
0x4e: {  	_ =	shalt  }
0x4f: {  	_ =	shalt  }
0x50: {  	_ =	shalt  }
0x51: {  	_ =	shalt  }
0x52: {  	_ =	shalt  }
0x53: {  	_ =	shalt  }
0x54: {  	_ =	shalt  }
0x55: {  	_ =	shalt  }
0x56: {  	_ =	shalt  }
0x57: {  	_ =	shalt  }
0x58: {  	_ =	shalt  }
0x59: {  	_ =	shalt  }
0x5a: {  	_ =	shalt  }
0x5b: {  	_ =	shalt  }
0x5c: {  	_ =	shalt  }
0x5d: {  	_ =	shalt  }
0x5e: {  	_ =	shalt  }
0x5f: {  	_ =	shalt  }
0x60: {  	_ =	shalt  }
0x61: {  	_ =	shalt  }
0x62: {  	_ =	shalt  }
0x63: {  	_ =	shalt  }
0x64: {  	_ =	shalt  }
0x65: {  	_ =	shalt  }
0x66: {  	_ =	shalt  }
0x67: {  	_ =	shalt  }
0x68: {  	_ =	shalt  }
0x69: {  	_ =	shalt  }
0x6a: {  	_ =	shalt  }
0x6b: {  	_ =	shalt  }
0x6c: {  	_ =	shalt  }
0x6d: {  	_ =	shalt  }
0x6e: {  	_ =	shalt  }
0x6f: {  	_ =	shalt  }
0x70: {  	_ =	shalt  }
0x71: {  	_ =	shalt  }
0x72: {  	_ =	shalt  }
0x73: {  	_ =	shalt  }
0x74: {  	_ =	shalt  }
0x75: {  	_ =	shalt  }
0x76: {  	_ =	shalt  }
0x77: {  	_ =	shalt  }
0x78: {  	_ =	shalt  }
0x79: {  	_ =	shalt  }
0x7a: {  	_ =	shalt  }
0x7b: {  	_ =	shalt  }
0x7c: {  	_ =	shalt  }
0x7d: {  	_ =	shalt  }
0x7e: {  	_ =	shalt  }
0x7f: {  	_ =	shalt  }
0x80: {  	_ =	shalt  }
0x81: {  	_ =	shalt  }
0x82: {  	_ =	shalt  }
0x83: {  	_ =	shalt  }
0x84: {  	_ =	shalt  }
0x85: {  	_ =	shalt  }
0x86: {  	_ =	shalt  }
0x87: {  	_ =	shalt  }
.Lfunc_end0:
.L_simem_size_0:
called_computation_lowered:
.L_overlay_start_0:
0x88: {  	s0 =	sld [smem:$0x3FD9]  }
0x89: {  	s1 =	sld [smem:$0x3FFE];
	_ =	sdelay $0x3  }
0x8a: {  	s0 =	sadd.s32 s1, s0  }
0x8b: {  	[smem:$0x3FC6] =	sst s0  }
0x8c: {  	_ = 	snop  }
0x8d: {  	s0 =	sld [smem:$0x3FC9]  }
0x8e: {  	s17 =	sld [smem:$0x3FC8]  }
0x8f: {  	s2 =	sld [smem:$0x3FD0];
	(tm) =	ssettm $0x1  }
0x90: {  	s3 =	sld [smem:$0x3FFB];
	_ =	sdelay $0x3  }
0x91: {  	_ =	strace s3  }
0x92: {  	s3 =	sld [smem:$0x3FFC];
	_ =	sdelay $0x3  }
0x93: {  	_ =	strace s3  }
0x94: {  	s3 =	sld [smem:$0x3FFD];
	_ =	sdelay $0x3  }
0x95: {  	_ =	strace s3  }
0x96: {  	_ =	strace $0x8FFFFFFF  }
0x97: {  	s18 =	sld [smem:$0x3FDB];
	_ =	sdelay $0x1  }
0x98: {  	s4 =	simm.s32 $_scs_section_size  }
0x99: {  	s5 =	simm.s32 $_size__tile_overlayer_lowered;
	s6 =	simm.s32 $_tile_overlayer_lowered  }
0x9a: {  	s21 =	simm.s32 $0x1BFF;
	s20 =	sshll.u32 s6, $0x1;
	s3 =	sadd.s32 s4, s18  }
0x9b: {  	s7 =	simm.s32 $0x0;
	s19 =	sshll.u32 s5, $0x1;
	s5 =	sadd.s32 s20, s3  }
0x9c: {  	[timem:s7], [sflag:s21] =	dma.local [hbm:s5], s19  }
0x9d: {  	_ =	swait.ge [sflag:s21], s19  }
0x9e: {  	s4 =	ssub.s32 $0x0, s19;
	[sflag:s21] =	ssyncset.done $0x0  }
0x9f: {  	[sflag:s21] =	ssyncadd.s32 s4;
	_ =	sdelay $0x1  }
0xa0: {  	s22 =	simm.s32 $0x1B8B  }
0xa1: {  	_ =	swait.ge [sflag:s22], $0x1  }
0xa2: {  	[sflag:s22] =	ssyncset.done $0x0  }
0xa3: {  	s23 =	simm.s32 $0x1B8E;
	[sflag:s22] =	ssyncadd.s32 $0xFFFFFFFF  }
0xa4: {  	s24 =	simm.s32 $execute0_lowered;
	[smem:$0x3FD2] =	sst s23  }
0xa5: {  	s4 =	sshll.u32 s24, $0x1;
	_ =	strace $0x80000046;
	[dreg:$0x1] =	wrdreg $0xFFFFFFFF  }
0xa6: {  	s25 =	simm.s32 $_size_execute0_lowered;
	s3 =	sadd.s32 s3, s4;
	[dreg:$0x0] =	wrdreg $0x0  }
0xa7: {  	s4 =	sshll.u32 s25, $0x1;
	[dreg:$0x2] =	wrdreg s3  }
0xa8: {  	[dreg:$0x3] =	wrdreg s4  }
0xa9: {  	[dreg:$0x4] =	wrdreg $0xC0  }
0xaa: {  	_ =	task [dreg:s7], $0x5FFFF  }
0xab: {  	[dreg:$0x1] =	wrdreg $0xFFFFFFFF  }
0xac: {  	[dreg:$0x0] =	wrdreg $0x60  }
0xad: {  	[dreg:$0x2] =	wrdreg s0  }
0xae: {  	[dreg:$0x3] =	wrdreg s17  }
0xaf: {  	[dreg:$0x4] =	wrdreg s2  }
0xb0: {  	[dreg:$0x5] =	wrdreg $0x9  }
0xb1: {  	_ =	task.clear_ibuf [dreg:s7], $0x6FFFF;
	_ =	strace $0x90000046  }
0xb2: {  	s26 =	simm.s32 $0x9;
	_ =	strace $0x80000048  }
0xb3: {  	_ =	swait.ge [sflag:s26], $0x1  }
0xb4: {  	[sflag:s26] =	ssyncadd.s32 $0xFFFFFFFF  }
0xb5: {  	_ =	strace $0x90000048  }
0xb6: {  	_ =	sfence  }
0xb7: {  	s28 =	sld [smem:$0x0];
	_ =	sdelay $0x1  }
0xb8: {  	s29 =	srdreg.scid  }
0xb9: {  	s30 =	sshll.u32 s29, $0xD;
	s31 =	sshrl.u32 s29, $0x2  }
0xba: {  	s1 =	sand.u32 $0x1, s29;
	s2 =	sand.u32 $0x4000, s30;
	s0 =	sadd.s32 s31, s28  }
0xbb: {  	s1 =	sor.u32 s2, s1;
	s0 =	sshll.u32 s0, $0x11  }
0xbc: {  	s0 =	sor.u32 s0, s1  }
0xbd: {  	s0 =	sadd.s32 $0x8F2B, s0  }
0xbe: {  	[sflag:s0] =	ssyncadd.remote.s32 $0x1  }
0xbf: {  	_ =	sfence.sel $0xFFFF  }
0xc0: {  	[dreg:$0x0] =	wrdreg $0xFFFFFFFF;
	(pc) =	sbr.abs _section_cstart, $3  }
0xc1: {  	[dreg:$0x1] =	wrdreg $0xFFFFFFFF  }
0xc2: {  	_ =	task.clear_ibuf [dreg:s7], $0x2FFFF;
	_ =	strace $0x9FFFFFFF  }
0xc3: {  	(tm) =	ssettm $0x7FFFFFFF  }
tec
execute0_lowered:
.L_overlay_start_1:
0x0: {  	(tag) =	ssettag $0x1  }
0x1: {  	s1 =	stileid.u32  }
0x2: {  	p0 =	sgt.u32 s1, $0x3  }
.Ltmp0:
0x3: {  	s2 =	rddreg [dreg:$0x0];
	(pc) =	sbr.rel @p0 .LBB2_4-.Ltmp0, $4  }
0x4: {  	s4 =	rddreg [dreg:$0x1]  }
0x5: {  	s3 =	rddreg [dreg:$0x2];
	s5 =	simm.s32 $0x0  }
0x6: {  	[smem:$0x7FF] =	sst s5  }
0x7: {  	s0 =	rddreg [dreg:$0x3];
	_ =	strace $0x80000047  }
0x8: {  	s7 =	sshll.u32 s1, $0x4;
	s6 =	simm.s32 $0x80  }
0x9: {  	s8 =	simm.s32 $0x200;
	s31 =	simm.s32 $0x5;
	s4 =	sadd.s32 s4, s7  }
0xa: {  	[tilespmem:s5], [sflag:$0x5] =	stream.strided.gather [hbm4b:s4+s6], $0x2000, s8, s6, $0x38;
	[tilespmem:$0x2800] =	vst v63  }
0xb: {  	_ =	swait.ge [sflag:s31], $0x2000  }
0xc: {  	[sflag:s31] =	ssyncset.done $0x0  }
0xd: {  	s9 =	simm.s32 $0x0;
	[sflag:s31] =	ssyncadd.s32 $0xFFFFE000  }
0xe: {  	v0 =	vld [tilespmem:s9+$0x70]  }
0xf: {  	v1 =	vld [tilespmem:s9+$0x0]  }
0x10: {  	v3 =	vld [tilespmem:s9+$0x10]  }
0x11: {  	v4 =	vld [tilespmem:s9+$0x20]  }
0x12: {  	v5 =	vld [tilespmem:s9+$0x30]  }
0x13: {  	v2 =	vimm.s32 $0x0;
	v7 =	vimm.s32 $0x0;
	v6 =	vld [tilespmem:s9+$0x40]  }
0x14: {  	v10 =	vimm.s32 $0x0;
	v8 =	vimm.s32 $0x0;
	v9 =	vimm.s32 $0x0;
	s3 =	sadd.s32 s3, s7;
	s7 =	simm.s32 $0x80;
	s6 =	sshll.u32 s1, $0x18;
	v11 =	vld [tilespmem:s9+$0x50]  }
0x15: {  	s5 =	sadd.s32 $0x400, s2;
	s4 =	sadd.s32 $0x200, s3;
	s8 =	simm.s32 $0x400;
	v12 =	vld [tilespmem:s9+$0x60];
	v0 =	vadd.s32 v2, v0;
	v1 =	vadd.s32 v2, v1;
	v3 =	vadd.s32 v2, v3  }
.LBB2_2:
0x16: {  	p0 =	sne.s32 s8, $0x7E00;
	v13 =	vld [tilespmem:s7+$0x70];
	v2 =	vadd.s32 v2, v4  }
0x17: {  	v14 =	vld [tilespmem:s7+$0x0];
	v7 =	vadd.s32 v7, v5  }
0x18: {  	v15 =	vld [tilespmem:s7+$0x10];
	v10 =	vadd.s32 v10, v6  }
.Ltmp1:
0x19: {  	v4 =	vld [tilespmem:s7+$0x20];
	v8 =	vadd.s32 v8, v11;
	(pc) =	sbr.rel @p0 .LBB2_2-.Ltmp1, $4  }
0x1a: {  	v5 =	vld [tilespmem:s7+$0x30];
	v9 =	vadd.s32 v9, v12  }
0x1b: {  	v6 =	vld [tilespmem:s7+$0x40];
	v0 =	vadd.s32 v0, v13  }
0x1c: {  	v1 =	vadd.s32 v1, v14;
	v11 =	vld [tilespmem:s7+$0x50]  }
0x1d: {  	v3 =	vadd.s32 v3, v15;
	v12 =	vld [tilespmem:s7+$0x60];
	s7 =	sshra.s32 s8, $0x2;
	s8 =	sadd.s32 $0x200, s8  }
0x1e: {  	v14 =	vld [tilespmem:s7+$0x0]  }
0x1f: {  	v15 =	vld [tilespmem:s7+$0x10]  }
0x20: {  	v16 =	vld [tilespmem:s7+$0x20]  }
0x21: {  	v17 =	vld [tilespmem:s7+$0x30];
	v2 =	vadd.s32 v2, v4;
	v48 =	vimm.s32 $0xFEDCBA98;
	v49 =	vimm.s32 $0x76543210  }
0x22: {  	v52 =	vimm.s32 $0x3210FEDC;
	v54 =	vimm.s32 $0xBA987654;
	v56 =	vimm.s32 $0x10FEDCBA  }
0x23: {  	v43 =	vld [tilespmem:s7+$0x40];
	v57 =	vimm.s32 $0x98765432;
	v41 =	vadd.s32 v7, v5;
	v53 =	vunpack.c.l.s4.s8 v52  }
0x24: {  	v46 =	vld [tilespmem:s7+$0x50];
	v55 =	vunpack.c.l.s4.s8 v54;
	v42 =	vadd.s32 v10, v6;
	v44 =	vadd.s32 v8, v11  }
0x25: {  	v47 =	vld [tilespmem:s7+$0x60];
	v45 =	vadd.s32 v9, v12;
	v1 =	vadd.s32 v1, v14;
	v3 =	vadd.s32 v3, v15  }
0x26: {  	v13 =	vld [tilespmem:s7+$0x70];
	v2 =	vadd.s32 v2, v16;
	v1 =	vadd.s32 v1, v3;
	v3 =	vunpack.c.l.s4.s8 v48  }
0x27: {  	v4 =	vadd.s32 v41, v17;
	v1 =	vadd.s32 v2, v1;
	v2 =	vunpack.c.l.s4.s8 v49  }
0x28: {  	v5 =	vadd.s32 v42, v43;
	v1 =	vadd.s32 v4, v1;
	v3 =	vunpack.c.0.s8.s32 v3  }
0x29: {  	v50 =	vadd.s32 v44, v46;
	v1 =	vadd.s32 v5, v1;
	v2 =	vunpack.c.0.s8.s32 v2  }
0x2a: {  	v51 =	vadd.s32 v45, v47;
	v1 =	vadd.s32 v50, v1;
	v3 =	vand.u32 $0xF, v3  }
0x2b: {  	v0 =	vadd.s32 v0, v13;
	v1 =	vadd.s32 v51, v1;
	v2 =	vcombine.low v3, v2  }
0x2c: {  	v3 =	vunpack.c.0.s8.s32 v53;
	v0 =	vadd.s32 v0, v1;
	v1 =	vunpack.c.0.s8.s32 v55  }
0x2d: {  	v4 =	vunpack.c.l.s4.s8 v56;
	v5 =	vunpack.c.l.s4.s8 v57;
	v2 =	vperm.xlane v0, v2  }
0x2e: {  	v60 =	vimm.s32 $0xFEDCBA9;
	v61 =	vimm.s32 $0x87654321;
	v1 =	vcombine.low v1, v3  }
0x2f: {  	v58 =	vunpack.c.0.s8.s32 v4;
	v59 =	vunpack.c.0.s8.s32 v5;
	v0 =	vadd.s32 v0, v2  }
0x30: {  	v4 =	vunpack.c.l.s4.s8 v60;
	v5 =	vunpack.c.l.s4.s8 v61;
	v1 =	vperm.xlane v0, v1  }
0x31: {  	v2 =	vcombine.low v59, v58  }
0x32: {  	v62 =	vunpack.c.0.s8.s32 v4;
	v63 =	vunpack.c.0.s8.s32 v5;
	v0 =	vadd.s32 v1, v0  }
0x33: {  	v2 =	vperm.xlane v0, v2  }
0x34: {  	v1 =	vcombine.low v63, v62  }
0x35: {  	v0 =	vadd.s32 v2, v0  }
0x36: {  	v1 =	vperm.xlane v0, v1;
	_ =	sdelay $0x1  }
0x37: {  	v0 =	vadd.s32 v1, v0  }
0x38: {  	(v2sf) =	vpush v0, $0x0;
	_ =	sdelay $0xe  }
0x39: {  	s21 =	spop (v2sf)  }
0x3a: {  	s7 =	sadd.s32 $0xFFFFFFFF, s21  }
0x3b: {  	s8 =	sshll.u32 s7, $0xB  }
0x3c: {  	s7 =	sshll.u32 s7, $0x7;
	s8 =	sand.u32 $0xFFFFC000, s8  }
0x3d: {  	s7 =	sand.u32 $0x380, s7;
	s6 =	sadd.s32 s6, s8  }
0x3e: {  	s6 =	sor.u32 s7, s6  }
0x3f: {  	s22 =	simm.s32 $0x80;
	s6 =	sshrl.u32 s6, $0x3  }
0x40: {  	s23 =	simm.s32 $0x400;
	s9 =	simm.s32 $0x2000;
	s2 =	sadd.s32 s2, s6  }
0x41: {  	[tilespmem:s9], [sflag:$0x1] =	stream.strided.gather [hbm4b:s2+s22], $0x400, s23, s22, $0x38;
	[tilespmem:$0x2800] =	vst v63  }
0x42: {  	s25 =	simm.s32 $0x2400;
	s26 =	simm.s32 $0x1;
	s24 =	sadd.s32 s6, s5  }
0x43: {  	[tilespmem:s25], [sflag:$0x2] =	stream.strided.gather [hbm4b:s24+s22], $0x400, s23, s22, $0x38;
	[tilespmem:$0x2800] =	vst v63  }
0x44: {  	_ =	swait.ge [sflag:s26], $0x400  }
0x45: {  	[sflag:s26] =	ssyncset.done $0x0  }
0x46: {  	s28 =	simm.s32 $0x200;
	s29 =	simm.s32 $0x2;
	[sflag:s26] =	ssyncadd.s32 $0xFFFFFC00  }
0x47: {  	[hbm4b:s3+s22] =	stream.strided.scatter [tilespmem:s9], [sflag:$0x3], $0x400, s28, s22, $0x38;
	[tilespmem:$0x2800] =	vst v63  }
0x48: {  	_ =	swait.ge [sflag:s29], $0x400  }
0x49: {  	[sflag:s29] =	ssyncset.done $0x0  }
0x4a: {  	s30 =	simm.s32 $0x3;
	[sflag:s29] =	ssyncadd.s32 $0xFFFFFC00  }
0x4b: {  	[hbm4b:s4+s22] =	stream.strided.scatter [tilespmem:s25], [sflag:$0x4], $0x400, s28, s22, $0x38;
	[tilespmem:$0x2800] =	vst v63  }
0x4c: {  	_ =	swait.ge [sflag:s30], $0x400  }
0x4d: {  	[sflag:s30] =	ssyncset.done $0x0  }
0x4e: {  	s31 =	simm.s32 $0x4;
	[sflag:s30] =	ssyncadd.s32 $0xFFFFFC00  }
0x4f: {  	_ =	swait.ge [sflag:s31], $0x400  }
0x50: {  	[sflag:s31] =	ssyncset.done $0x0  }
0x51: {  	[sflag:s31] =	ssyncadd.s32 $0xFFFFFC00  }
.LBB2_4:
0x52: {  	_ =	sfence.sel $0x180000  }
0x53: {  	[bflag:$0x0] =	sbarrier.arrive $0xFFFF  }
0x54: {  	p0 =	sne.s32 s1, $0x0;
	_ =	strace $0x90000047  }
0x55: {  	s0 =	sadd.s32 @!p0 $0x100000, s0;
	[bflag:$0x2] =	sbarrier.arrive $0xFFFF  }
0x56: {  	[sflag:s0] =	ssyncadd.tile.s32 @!p0 $0x1;
	_ =	shalt  }
.Lfunc_end2:
_tile_overlayer_lowered:
.L_overlay_start_2:
0x57: {  	(tag) =	ssettag $0x2  }
0x58: {  	s0 =	rddreg [dreg:$0x0];
	s2 =	stileid.u32  }
0x59: {  	s1 =	rddreg [dreg:$0x1];
	p0 =	sne.s32 s2, $0x0  }
0x5a: {  	s3 =	rddreg [dreg:$0x2];
	[bflag:$0x3] =	sbarrier.arrive $0xFFFF;
	s2 =	simm.s32 @!p0 $0x1C05  }
0x5b: {  	[timem:s3], [sflag:s2] =	dma.local @!p0 [hbm:s0], s1  }
0x5c: {  	s0 =	simm.s32 @!p0 $0x5  }
0x5d: {  	_ =	swait.ge @!p0 [sflag:s0], s1  }
0x5e: {  	s1 =	ssub.s32 @!p0 $0x0, s1;
	[sflag:s0] =	ssyncset.done @!p0 $0x0  }
0x5f: {  	[sflag:s0] =	ssyncadd.s32 @!p0 s1  }
0x60: {  	[bflag:$0x3] =	sbarrier.arrive $0xFFFF  }
0x61: {  	_ =	shalt  }

</sc_bundles>
